<compile_context>
chip_gen: v7x
topology: tpu7x:2x2x1
jax: 0.10.2.dev20260603
libtpu: 0.0.44.dev20260713+nightly
codegen_flags: <defaults>
</compile_context>

<pallas_src>
import jax
import jax.numpy as jnp
from jax import lax
from jax.experimental import pallas as pl

_B, _TX, _S = 16, 4, 2
_SLABS = _B * _TX * _S
_ROWS_IN = 1792
_ROWS_DATA = 1664
_ROWS_PIL = 128


def _demap_body(in_ref, data_ref, pil_ref):
    data_ref[0, 0:256] = in_ref[0, 0:256]
    data_ref[0, 320:1344] = in_ref[0, 384:1408]
    data_ref[0, 1408:1664] = in_ref[0, 1536:1792]

    r64 = lax.broadcasted_iota(jnp.int32, (64, 128), 0)
    i128 = lax.broadcasted_iota(jnp.int32, (64, 128), 1)
    se = (i128 == 2 * r64).astype(jnp.float32)
    so = (i128 == 2 * r64 + 1).astype(jnp.float32)

    jj = lax.broadcasted_iota(jnp.int32, (128, 128), 0)
    ll = lax.broadcasted_iota(jnp.int32, (128, 128), 1)
    h = 8 * ((ll % 64) // 4) + ll % 4
    lo = (ll < 64).astype(jnp.float32)
    hi = (ll >= 64).astype(jnp.float32)
    re1 = (jj == h).astype(jnp.float32) * lo
    re2 = (jj == h).astype(jnp.float32) * hi
    ro1 = (jj == h + 4).astype(jnp.float32) * lo
    ro2 = (jj == h + 4).astype(jnp.float32) * hi

    def dot(a, b):
        return jnp.dot(a, b, preferred_element_type=jnp.float32,
                       precision=lax.Precision.HIGHEST)

    for src_row, pil_row, data_row in ((256, 0, 256), (1408, 64, 1344)):
        xs = in_ref[0, src_row:src_row + 128]
        t1 = dot(se, xs)
        t2 = dot(so, xs)
        pil_ref[0, pil_row:pil_row + 64] = dot(t1, re1) + dot(t2, re2)
        data_ref[0, data_row:data_row + 64] = dot(t1, ro1) + dot(t2, ro2)


def _demap(x2):
    return pl.pallas_call(
        _demap_body,
        grid=(_SLABS,),
        in_specs=[pl.BlockSpec((1, _ROWS_IN, 128), lambda i: (i, 0, 0))],
        out_specs=[
            pl.BlockSpec((1, _ROWS_DATA, 128), lambda i: (i, 0, 0)),
            pl.BlockSpec((1, _ROWS_PIL, 128), lambda i: (i, 0, 0)),
        ],
        out_shape=[
            jax.ShapeDtypeStruct((_SLABS, _ROWS_DATA, 128), jnp.float32),
            jax.ShapeDtypeStruct((_SLABS, _ROWS_PIL, 128), jnp.float32),
        ],
    )(x2)


@jax.jit
def kernel(inputs):
    b, tx, s, re, n = inputs.shape
    x2 = inputs.reshape(_SLABS, _ROWS_IN, 128)
    data2, pil2 = _demap(x2)
    data = data2.reshape(b, tx, s, 53248, n)
    pilots = pil2.reshape(b, tx, s, 1024, n, n)
    return (data, pilots)

# --- scband reference (transcript-rebuilt; emitter-appended) ---
"""Pipeline reference for scband-resource-grid-demapper-317827580205 (READ-ONLY COPY).

The authoritative reference and input builder live on the scoring server;
editing this copy changes nothing except your own understanding.
"""

import jax, jax.numpy as jnp
import numpy as np

NUM_TX = 4
NUM_STREAMS = 2
NUM_SYM = 14
FFT = 4096
NUM_RE = NUM_SYM * FFT
N = 4
BATCH = 16


def _build_type_grid():
    # 0 = data, 1 = pilot. Same pattern for every (tx, stream) so per-stream
    # pilot/data counts match (required by the reshape in the original module).
    g = np.zeros((NUM_TX, NUM_STREAMS, NUM_SYM, FFT), dtype=np.int32)
    g[:, :, 2, ::2] = 1
    g[:, :, 11, ::2] = 1
    return g.reshape(NUM_TX, NUM_STREAMS, NUM_RE)


_RG_TYPE = _build_type_grid()
# pilot_ind[2] / data_ind[2]: resource-element indices along dim 2 of rg_type
_PILOT_RE = np.where(_RG_TYPE[0, 0] == 1)[0].astype(np.int64)
_DATA_RE = np.where(_RG_TYPE[0, 0] == 0)[0].astype(np.int64)


def setup_inputs(seed: int = 0) -> dict:
    key = jax.random.key(seed)
    inputs = jax.random.normal(key, (BATCH, NUM_TX, NUM_STREAMS, NUM_RE, N), dtype=jnp.float32)
    return {"inputs": inputs}


def reference(inputs):
    assert inputs.shape[1:-1] == (NUM_TX, NUM_STREAMS, NUM_RE)
    batch_size = inputs.shape[0]
    n = inputs.shape[-1]
    pilot_re = jnp.asarray(_PILOT_RE)
    data_re = jnp.asarray(_DATA_RE)
    # gather along the resource-element dimension (dim -2)
    pilots = jnp.take(inputs, pilot_re, axis=-2)
    pilots = pilots.reshape(batch_size, NUM_TX, NUM_STREAMS, -1, n)
    data = jnp.take(inputs, data_re, axis=-2)
    data = data.reshape(batch_size, NUM_TX, NUM_STREAMS, -1, n)
    # split_dim(pilots, 3, pilots.shape[3] // n)
    num_pilot = pilots.shape[3]
    pilots = pilots.reshape(batch_size, NUM_TX, NUM_STREAMS, num_pilot // n, n, n)
    return (data, pilots)

if __name__ == "__main__":
    import jax
    _d = setup_inputs()
    print(jax.jit(kernel)(*tuple(_d.values())))

</pallas_src>

<mosaic_0001>
module attributes {stable_mosaic.version = 14 : i64} {
  func.func @_demap_body(%arg0: i32, %arg1: memref<1x1792x128xf32, #tpu.memory_space<vmem>>, %arg2: memref<1x1664x128xf32, #tpu.memory_space<vmem>>, %arg3: memref<1x128x128xf32, #tpu.memory_space<vmem>>) attributes {dimension_semantics = [#tpu.dimension_semantics<arbitrary>], iteration_bounds = array<i64: 128>, scalar_prefetch = 0 : i64, scratch_operands = 0 : i64, tpu.core_type = #tpu.core_type<tc>, window_params = [{transform_indices = @transform_0, window_bounds = array<i64: 1, 1792, 128>}, {transform_indices = @transform_1, window_bounds = array<i64: 1, 1664, 128>}, {transform_indices = @transform_2, window_bounds = array<i64: 1, 128, 128>}]} {
    %get3A = arith.constant 0 : index
    %get3A_0 = arith.constant 0 : index
    %get3A_1 = arith.constant 0 : index
    %get3A_2 = vector.load %arg1[%get3A, %get3A_0, %get3A_1] : memref<1x1792x128xf32, #tpu.memory_space<vmem>>, vector<1x256x128xf32>
    %get3A_3 = vector.shape_cast %get3A_2 : vector<1x256x128xf32> to vector<256x128xf32>
    %swap3A = arith.constant 0 : index
    %swap3A_4 = arith.constant 0 : index
    %swap3A_5 = arith.constant 0 : index
    %swap3A_6 = vector.load %arg2[%swap3A, %swap3A_4, %swap3A_5] : memref<1x1664x128xf32, #tpu.memory_space<vmem>>, vector<1x256x128xf32>
    %swap3A_7 = vector.shape_cast %swap3A_6 : vector<1x256x128xf32> to vector<256x128xf32>
    %swap3A_8 = vector.shape_cast %get3A_3 : vector<256x128xf32> to vector<1x256x128xf32>
    tpu.vector_store %arg2[%swap3A, %swap3A_4, %swap3A_5], %swap3A_8 {strides = array<i32>} : memref<1x1664x128xf32, #tpu.memory_space<vmem>>, vector<1x256x128xf32>,
    %get3A_9 = arith.constant 0 : index
    %get3A_10 = arith.constant 384 : index
    %get3A_11 = arith.constant 0 : index
    %get3A_12 = vector.load %arg1[%get3A_9, %get3A_10, %get3A_11] : memref<1x1792x128xf32, #tpu.memory_space<vmem>>, vector<1x1024x128xf32>
    %get3A_13 = vector.shape_cast %get3A_12 : vector<1x1024x128xf32> to vector<1024x128xf32>
    %swap3A_14 = arith.constant 0 : index
    %swap3A_15 = arith.constant 320 : index
    %swap3A_16 = arith.constant 0 : index
    %swap3A_17 = vector.load %arg2[%swap3A_14, %swap3A_15, %swap3A_16] : memref<1x1664x128xf32, #tpu.memory_space<vmem>>, vector<1x1024x128xf32>
    %swap3A_18 = vector.shape_cast %swap3A_17 : vector<1x1024x128xf32> to vector<1024x128xf32>
    %swap3A_19 = vector.shape_cast %get3A_13 : vector<1024x128xf32> to vector<1x1024x128xf32>
    tpu.vector_store %arg2[%swap3A_14, %swap3A_15, %swap3A_16], %swap3A_19 {strides = array<i32>} : memref<1x1664x128xf32, #tpu.memory_space<vmem>>, vector<1x1024x128xf32>,
    %get3A_20 = arith.constant 0 : index
    %get3A_21 = arith.constant 1536 : index
    %get3A_22 = arith.constant 0 : index
    %get3A_23 = vector.load %arg1[%get3A_20, %get3A_21, %get3A_22] : memref<1x1792x128xf32, #tpu.memory_space<vmem>>, vector<1x256x128xf32>
    %get3A_24 = vector.shape_cast %get3A_23 : vector<1x256x128xf32> to vector<256x128xf32>
    %swap3A_25 = arith.constant 0 : index
    %swap3A_26 = arith.constant 1408 : index
    %swap3A_27 = arith.constant 0 : index
    %swap3A_28 = vector.load %arg2[%swap3A_25, %swap3A_26, %swap3A_27] : memref<1x1664x128xf32, #tpu.memory_space<vmem>>, vector<1x256x128xf32>
    %swap3A_29 = vector.shape_cast %swap3A_28 : vector<1x256x128xf32> to vector<256x128xf32>
    %swap3A_30 = vector.shape_cast %get3A_24 : vector<256x128xf32> to vector<1x256x128xf32>
    tpu.vector_store %arg2[%swap3A_25, %swap3A_26, %swap3A_27], %swap3A_30 {strides = array<i32>} : memref<1x1664x128xf32, #tpu.memory_space<vmem>>, vector<1x256x128xf32>,
    %iota3A = tpu.iota {dimensions = array<i32: 0>} : vector<64x128xi32>
    %iota3A_31 = tpu.iota {dimensions = array<i32: 1>} : vector<64x128xi32>
    %mul3A = arith.constant 2 : i32
    %mul3A_32 = vector.broadcast %mul3A : i32 to vector<64x128xi32>
    %mul3A_33 = arith.muli %mul3A_32, %iota3A : vector<64x128xi32>
    %eq3A = arith.cmpi eq, %iota3A_31, %mul3A_33 : vector<64x128xi32>
    %convert_element_type3A = arith.extui %eq3A : vector<64x128xi1> to vector<64x128xi32>
    %convert_element_type3A_34 = arith.sitofp %convert_element_type3A : vector<64x128xi32> to vector<64x128xf32>
    %mul3A_35 = arith.constant 2 : i32
    %mul3A_36 = vector.broadcast %mul3A_35 : i32 to vector<64x128xi32>
    %mul3A_37 = arith.muli %mul3A_36, %iota3A : vector<64x128xi32>
    %add3A = arith.constant 1 : i32
    %add3A_38 = vector.broadcast %add3A : i32 to vector<64x128xi32>
    %add3A_39 = arith.addi %mul3A_37, %add3A_38 : vector<64x128xi32>
    %eq3A_40 = arith.cmpi eq, %iota3A_31, %add3A_39 : vector<64x128xi32>
    %convert_element_type3A_41 = arith.extui %eq3A_40 : vector<64x128xi1> to vector<64x128xi32>
    %convert_element_type3A_42 = arith.sitofp %convert_element_type3A_41 : vector<64x128xi32> to vector<64x128xf32>
    %iota3A_43 = tpu.iota {dimensions = array<i32: 0>} : vector<128x128xi32>
    %iota3A_44 = tpu.iota {dimensions = array<i32: 1>} : vector<128x128xi32>
    %jit3A = arith.constant 64 : i32
    %eq3A_45 = arith.constant 0 : i32
    %eq3A_46 = arith.cmpi eq, %jit3A, %eq3A_45 : i32
    %jit3A_47 = arith.constant 1 : i32
    %select_n3A = arith.select %eq3A_46, %jit3A_47, %jit3A : i32
    %rem3A = vector.broadcast %select_n3A : i32 to vector<128x128xi32>
    %rem3A_48 = arith.remsi %iota3A_44, %rem3A : vector<128x128xi32>
    %ne3A = arith.constant 0 : i32
    %ne3A_49 = vector.broadcast %ne3A : i32 to vector<128x128xi32>
    %ne3A_50 = arith.cmpi ne, %rem3A_48, %ne3A_49 : vector<128x128xi32>
    %lt3A = arith.constant 0 : i32
    %lt3A_51 = vector.broadcast %lt3A : i32 to vector<128x128xi32>
    %lt3A_52 = arith.cmpi slt, %rem3A_48, %lt3A_51 : vector<128x128xi32>
    %lt3A_53 = arith.constant 0 : i32
    %lt3A_54 = arith.cmpi slt, %select_n3A, %lt3A_53 : i32
    %ne3A_55 = vector.broadcast %lt3A_54 : i1 to vector<128x128xi1>
    %ne3A_56 = vector.broadcast %ne3A_55 : vector<128x128xi1> to vector<128x128xi1>
    %ne3A_57 = arith.xori %lt3A_52, %ne3A_56 : vector<128x128xi1>
    %and3A = arith.andi %ne3A_57, %ne3A_50 : vector<128x128xi1>
    %add3A_58 = vector.broadcast %select_n3A : i32 to vector<128x128xi32>
    %add3A_59 = arith.addi %rem3A_48, %add3A_58 : vector<128x128xi32>
    %select_n3A_60 = arith.select %and3A, %add3A_59, %rem3A_48 : vector<128x128xi1>, vector<128x128xi32>
    %jit3A_61 = arith.constant 4 : i32
    %div3A = vector.broadcast %jit3A_61 : i32 to vector<128x128xi32>
    %div3A_62 = arith.divsi %select_n3A_60, %div3A : vector<128x128xi32>
    %sign3A = arith.constant 0 : i32
    %sign3A_63 = vector.broadcast %sign3A : i32 to vector<128x128xi32>
    %sign3A_64 = arith.cmpi sgt, %select_n3A_60, %sign3A_63 : vector<128x128xi32>
    %sign3A_65 = arith.extui %sign3A_64 : vector<128x128xi1> to vector<128x128xi32>
    %sign3A_66 = arith.constant 0 : i32
    %sign3A_67 = vector.broadcast %sign3A_66 : i32 to vector<128x128xi32>
    %sign3A_68 = arith.cmpi slt, %select_n3A_60, %sign3A_67 : vector<128x128xi32>
    %sign3A_69 = arith.extui %sign3A_68 : vector<128x128xi1> to vector<128x128xi32>
    %sign3A_70 = arith.subi %sign3A_65, %sign3A_69 : vector<128x128xi32>
    %sign3A_71 = arith.constant 0 : i32
    %sign3A_72 = arith.cmpi sgt, %jit3A_61, %sign3A_71 : i32
    %sign3A_73 = arith.extui %sign3A_72 : i1 to i32
    %sign3A_74 = arith.constant 0 : i32
    %sign3A_75 = arith.cmpi slt, %jit3A_61, %sign3A_74 : i32
    %sign3A_76 = arith.extui %sign3A_75 : i1 to i32
    %sign3A_77 = arith.subi %sign3A_73, %sign3A_76 : i32
    %ne3A_78 = vector.broadcast %sign3A_77 : i32 to vector<128x128xi32>
    %ne3A_79 = arith.cmpi ne, %sign3A_70, %ne3A_78 : vector<128x128xi32>
    %rem3A_80 = vector.broadcast %jit3A_61 : i32 to vector<128x128xi32>
    %rem3A_81 = arith.remsi %select_n3A_60, %rem3A_80 : vector<128x128xi32>
    %ne3A_82 = arith.constant 0 : i32
    %ne3A_83 = vector.broadcast %ne3A_82 : i32 to vector<128x128xi32>
    %ne3A_84 = arith.cmpi ne, %rem3A_81, %ne3A_83 : vector<128x128xi32>
    %and3A_85 = arith.andi %ne3A_79, %ne3A_84 : vector<128x128xi1>
    %sub3A = arith.constant 1 : i32
    %sub3A_86 = vector.broadcast %sub3A : i32 to vector<128x128xi32>
    %sub3A_87 = arith.subi %div3A_62, %sub3A_86 : vector<128x128xi32>
    %select_n3A_88 = arith.select %and3A_85, %sub3A_87, %div3A_62 : vector<128x128xi1>, vector<128x128xi32>
    %mul3A_89 = arith.constant 8 : i32
    %mul3A_90 = vector.broadcast %mul3A_89 : i32 to vector<128x128xi32>
    %mul3A_91 = arith.muli %mul3A_90, %select_n3A_88 : vector<128x128xi32>
    %jit3A_92 = arith.constant 4 : i32
    %eq3A_93 = arith.constant 0 : i32
    %eq3A_94 = arith.cmpi eq, %jit3A_92, %eq3A_93 : i32
    %jit3A_95 = arith.constant 1 : i32
    %select_n3A_96 = arith.select %eq3A_94, %jit3A_95, %jit3A_92 : i32
    %rem3A_97 = vector.broadcast %select_n3A_96 : i32 to vector<128x128xi32>
    %rem3A_98 = arith.remsi %iota3A_44, %rem3A_97 : vector<128x128xi32>
    %ne3A_99 = arith.constant 0 : i32
    %ne3A_100 = vector.broadcast %ne3A_99 : i32 to vector<128x128xi32>
    %ne3A_101 = arith.cmpi ne, %rem3A_98, %ne3A_100 : vector<128x128xi32>
    %lt3A_102 = arith.constant 0 : i32
    %lt3A_103 = vector.broadcast %lt3A_102 : i32 to vector<128x128xi32>
    %lt3A_104 = arith.cmpi slt, %rem3A_98, %lt3A_103 : vector<128x128xi32>
    %lt3A_105 = arith.constant 0 : i32
    %lt3A_106 = arith.cmpi slt, %select_n3A_96, %lt3A_105 : i32
    %ne3A_107 = vector.broadcast %lt3A_106 : i1 to vector<128x128xi1>
    %ne3A_108 = vector.broadcast %ne3A_107 : vector<128x128xi1> to vector<128x128xi1>
    %ne3A_109 = arith.xori %lt3A_104, %ne3A_108 : vector<128x128xi1>
    %and3A_110 = arith.andi %ne3A_109, %ne3A_101 : vector<128x128xi1>
    %add3A_111 = vector.broadcast %select_n3A_96 : i32 to vector<128x128xi32>
    %add3A_112 = arith.addi %rem3A_98, %add3A_111 : vector<128x128xi32>
    %select_n3A_113 = arith.select %and3A_110, %add3A_112, %rem3A_98 : vector<128x128xi1>, vector<128x128xi32>
    %add3A_114 = arith.addi %mul3A_91, %select_n3A_113 : vector<128x128xi32>
    %lt3A_115 = arith.constant 64 : i32
    %lt3A_116 = vector.broadcast %lt3A_115 : i32 to vector<128x128xi32>
    %lt3A_117 = arith.cmpi slt, %iota3A_44, %lt3A_116 : vector<128x128xi32>
    %convert_element_type3A_118 = arith.extui %lt3A_117 : vector<128x128xi1> to vector<128x128xi32>
    %convert_element_type3A_119 = arith.sitofp %convert_element_type3A_118 : vector<128x128xi32> to vector<128x128xf32>
    %ge3A = arith.constant 64 : i32
    %ge3A_120 = vector.broadcast %ge3A : i32 to vector<128x128xi32>
    %ge3A_121 = arith.cmpi sge, %iota3A_44, %ge3A_120 : vector<128x128xi32>
    %convert_element_type3A_122 = arith.extui %ge3A_121 : vector<128x128xi1> to vector<128x128xi32>
    %convert_element_type3A_123 = arith.sitofp %convert_element_type3A_122 : vector<128x128xi32> to vector<128x128xf32>
    %eq3A_124 = arith.cmpi eq, %iota3A_43, %add3A_114 : vector<128x128xi32>
    %convert_element_type3A_125 = arith.extui %eq3A_124 : vector<128x128xi1> to vector<128x128xi32>
    %convert_element_type3A_126 = arith.sitofp %convert_element_type3A_125 : vector<128x128xi32> to vector<128x128xf32>
    %mul3A_127 = arith.mulf %convert_element_type3A_126, %convert_element_type3A_119 : vector<128x128xf32>
    %eq3A_128 = arith.cmpi eq, %iota3A_43, %add3A_114 : vector<128x128xi32>
    %convert_element_type3A_129 = arith.extui %eq3A_128 : vector<128x128xi1> to vector<128x128xi32>
    %convert_element_type3A_130 = arith.sitofp %convert_element_type3A_129 : vector<128x128xi32> to vector<128x128xf32>
    %mul3A_131 = arith.mulf %convert_element_type3A_130, %convert_element_type3A_123 : vector<128x128xf32>
    %add3A_132 = arith.constant 4 : i32
    %add3A_133 = vector.broadcast %add3A_132 : i32 to vector<128x128xi32>
    %add3A_134 = arith.addi %add3A_114, %add3A_133 : vector<128x128xi32>
    %eq3A_135 = arith.cmpi eq, %iota3A_43, %add3A_134 : vector<128x128xi32>
    %convert_element_type3A_136 = arith.extui %eq3A_135 : vector<128x128xi1> to vector<128x128xi32>
    %convert_element_type3A_137 = arith.sitofp %convert_element_type3A_136 : vector<128x128xi32> to vector<128x128xf32>
    %mul3A_138 = arith.mulf %convert_element_type3A_137, %convert_element_type3A_119 : vector<128x128xf32>
    %add3A_139 = arith.constant 4 : i32
    %add3A_140 = vector.broadcast %add3A_139 : i32 to vector<128x128xi32>
    %add3A_141 = arith.addi %add3A_114, %add3A_140 : vector<128x128xi32>
    %eq3A_142 = arith.cmpi eq, %iota3A_43, %add3A_141 : vector<128x128xi32>
    %convert_element_type3A_143 = arith.extui %eq3A_142 : vector<128x128xi1> to vector<128x128xi32>
    %convert_element_type3A_144 = arith.sitofp %convert_element_type3A_143 : vector<128x128xi32> to vector<128x128xf32>
    %mul3A_145 = arith.mulf %convert_element_type3A_144, %convert_element_type3A_123 : vector<128x128xf32>
    %get3A_146 = arith.constant 0 : index
    %get3A_147 = arith.constant 256 : index
    %get3A_148 = arith.constant 0 : index
    %get3A_149 = vector.load %arg1[%get3A_146, %get3A_147, %get3A_148] : memref<1x1792x128xf32, #tpu.memory_space<vmem>>, vector<1x128x128xf32>
    %get3A_150 = vector.shape_cast %get3A_149 : vector<1x128x128xf32> to vector<128x128xf32>
    %dot_general3A = arith.constant dense<0.000000e+00> : vector<64x128xf32>
    %dot_general3A_151 = tpu.matmul %convert_element_type3A_34, %get3A_150, %dot_general3A {dimension_numbers = #tpu.dot_dimension_numbers<[1], [0], [0], [1], [0, 0, 1, 1], [], []>, precision = #tpu.contract_precision<fp32>, transpose_lhs_hint = false} : vector<64x128xf32>, vector<128x128xf32>, vector<64x128xf32> -> vector<64x128xf32>
    %dot_general3A_152 = arith.constant dense<0.000000e+00> : vector<64x128xf32>
    %dot_general3A_153 = tpu.matmul %convert_element_type3A_42, %get3A_150, %dot_general3A_152 {dimension_numbers = #tpu.dot_dimension_numbers<[1], [0], [0], [1], [0, 0, 1, 1], [], []>, precision = #tpu.contract_precision<fp32>, transpose_lhs_hint = false} : vector<64x128xf32>, vector<128x128xf32>, vector<64x128xf32> -> vector<64x128xf32>
    %dot_general3A_154 = arith.constant dense<0.000000e+00> : vector<64x128xf32>
    %dot_general3A_155 = tpu.matmul %dot_general3A_151, %mul3A_127, %dot_general3A_154 {dimension_numbers = #tpu.dot_dimension_numbers<[1], [0], [0], [1], [0, 0, 1, 1], [], []>, precision = #tpu.contract_precision<fp32>, transpose_lhs_hint = false} : vector<64x128xf32>, vector<128x128xf32>, vector<64x128xf32> -> vector<64x128xf32>
    %dot_general3A_156 = arith.constant dense<0.000000e+00> : vector<64x128xf32>
    %dot_general3A_157 = tpu.matmul %dot_general3A_153, %mul3A_131, %dot_general3A_156 {dimension_numbers = #tpu.dot_dimension_numbers<[1], [0], [0], [1], [0, 0, 1, 1], [], []>, precision = #tpu.contract_precision<fp32>, transpose_lhs_hint = false} : vector<64x128xf32>, vector<128x128xf32>, vector<64x128xf32> -> vector<64x128xf32>
    %add3A_158 = arith.addf %dot_general3A_155, %dot_general3A_157 : vector<64x128xf32>
    %swap3A_159 = arith.constant 0 : index
    %swap3A_160 = arith.constant 0 : index
    %swap3A_161 = arith.constant 0 : index
    %swap3A_162 = vector.load %arg3[%swap3A_159, %swap3A_160, %swap3A_161] : memref<1x128x128xf32, #tpu.memory_space<vmem>>, vector<1x64x128xf32>
    %swap3A_163 = vector.shape_cast %swap3A_162 : vector<1x64x128xf32> to vector<64x128xf32>
    %swap3A_164 = vector.shape_cast %add3A_158 : vector<64x128xf32> to vector<1x64x128xf32>
    tpu.vector_store %arg3[%swap3A_159, %swap3A_160, %swap3A_161], %swap3A_164 {strides = array<i32>} : memref<1x128x128xf32, #tpu.memory_space<vmem>>, vector<1x64x128xf32>,
    %dot_general3A_165 = arith.constant dense<0.000000e+00> : vector<64x128xf32>
    %dot_general3A_166 = tpu.matmul %dot_general3A_151, %mul3A_138, %dot_general3A_165 {dimension_numbers = #tpu.dot_dimension_numbers<[1], [0], [0], [1], [0, 0, 1, 1], [], []>, precision = #tpu.contract_precision<fp32>, transpose_lhs_hint = false} : vector<64x128xf32>, vector<128x128xf32>, vector<64x128xf32> -> vector<64x128xf32>
    %dot_general3A_167 = arith.constant dense<0.000000e+00> : vector<64x128xf32>
    %dot_general3A_168 = tpu.matmul %dot_general3A_153, %mul3A_145, %dot_general3A_167 {dimension_numbers = #tpu.dot_dimension_numbers<[1], [0], [0], [1], [0, 0, 1, 1], [], []>, precision = #tpu.contract_precision<fp32>, transpose_lhs_hint = false} : vector<64x128xf32>, vector<128x128xf32>, vector<64x128xf32> -> vector<64x128xf32>
    %add3A_169 = arith.addf %dot_general3A_166, %dot_general3A_168 : vector<64x128xf32>
    %swap3A_170 = arith.constant 0 : index
    %swap3A_171 = arith.constant 256 : index
    %swap3A_172 = arith.constant 0 : index
    %swap3A_173 = vector.load %arg2[%swap3A_170, %swap3A_171, %swap3A_172] : memref<1x1664x128xf32, #tpu.memory_space<vmem>>, vector<1x64x128xf32>
    %swap3A_174 = vector.shape_cast %swap3A_173 : vector<1x64x128xf32> to vector<64x128xf32>
    %swap3A_175 = vector.shape_cast %add3A_169 : vector<64x128xf32> to vector<1x64x128xf32>
    tpu.vector_store %arg2[%swap3A_170, %swap3A_171, %swap3A_172], %swap3A_175 {strides = array<i32>} : memref<1x1664x128xf32, #tpu.memory_space<vmem>>, vector<1x64x128xf32>,
    %get3A_176 = arith.constant 0 : index
    %get3A_177 = arith.constant 1408 : index
    %get3A_178 = arith.constant 0 : index
    %get3A_179 = vector.load %arg1[%get3A_176, %get3A_177, %get3A_178] : memref<1x1792x128xf32, #tpu.memory_space<vmem>>, vector<1x128x128xf32>
    %get3A_180 = vector.shape_cast %get3A_179 : vector<1x128x128xf32> to vector<128x128xf32>
    %dot_general3A_181 = arith.constant dense<0.000000e+00> : vector<64x128xf32>
    %dot_general3A_182 = tpu.matmul %convert_element_type3A_34, %get3A_180, %dot_general3A_181 {dimension_numbers = #tpu.dot_dimension_numbers<[1], [0], [0], [1], [0, 0, 1, 1], [], []>, precision = #tpu.contract_precision<fp32>, transpose_lhs_hint = false} : vector<64x128xf32>, vector<128x128xf32>, vector<64x128xf32> -> vector<64x128xf32>
    %dot_general3A_183 = arith.constant dense<0.000000e+00> : vector<64x128xf32>
    %dot_general3A_184 = tpu.matmul %convert_element_type3A_42, %get3A_180, %dot_general3A_183 {dimension_numbers = #tpu.dot_dimension_numbers<[1], [0], [0], [1], [0, 0, 1, 1], [], []>, precision = #tpu.contract_precision<fp32>, transpose_lhs_hint = false} : vector<64x128xf32>, vector<128x128xf32>, vector<64x128xf32> -> vector<64x128xf32>
    %dot_general3A_185 = arith.constant dense<0.000000e+00> : vector<64x128xf32>
    %dot_general3A_186 = tpu.matmul %dot_general3A_182, %mul3A_127, %dot_general3A_185 {dimension_numbers = #tpu.dot_dimension_numbers<[1], [0], [0], [1], [0, 0, 1, 1], [], []>, precision = #tpu.contract_precision<fp32>, transpose_lhs_hint = false} : vector<64x128xf32>, vector<128x128xf32>, vector<64x128xf32> -> vector<64x128xf32>
    %dot_general3A_187 = arith.constant dense<0.000000e+00> : vector<64x128xf32>
    %dot_general3A_188 = tpu.matmul %dot_general3A_184, %mul3A_131, %dot_general3A_187 {dimension_numbers = #tpu.dot_dimension_numbers<[1], [0], [0], [1], [0, 0, 1, 1], [], []>, precision = #tpu.contract_precision<fp32>, transpose_lhs_hint = false} : vector<64x128xf32>, vector<128x128xf32>, vector<64x128xf32> -> vector<64x128xf32>
    %add3A_189 = arith.addf %dot_general3A_186, %dot_general3A_188 : vector<64x128xf32>
    %swap3A_190 = arith.constant 0 : index
    %swap3A_191 = arith.constant 64 : index
    %swap3A_192 = arith.constant 0 : index
    %swap3A_193 = vector.load %arg3[%swap3A_190, %swap3A_191, %swap3A_192] : memref<1x128x128xf32, #tpu.memory_space<vmem>>, vector<1x64x128xf32>
    %swap3A_194 = vector.shape_cast %swap3A_193 : vector<1x64x128xf32> to vector<64x128xf32>
    %swap3A_195 = vector.shape_cast %add3A_189 : vector<64x128xf32> to vector<1x64x128xf32>
    tpu.vector_store %arg3[%swap3A_190, %swap3A_191, %swap3A_192], %swap3A_195 {strides = array<i32>} : memref<1x128x128xf32, #tpu.memory_space<vmem>>, vector<1x64x128xf32>,
    %dot_general3A_196 = arith.constant dense<0.000000e+00> : vector<64x128xf32>
    %dot_general3A_197 = tpu.matmul %dot_general3A_182, %mul3A_138, %dot_general3A_196 {dimension_numbers = #tpu.dot_dimension_numbers<[1], [0], [0], [1], [0, 0, 1, 1], [], []>, precision = #tpu.contract_precision<fp32>, transpose_lhs_hint = false} : vector<64x128xf32>, vector<128x128xf32>, vector<64x128xf32> -> vector<64x128xf32>
    %dot_general3A_198 = arith.constant dense<0.000000e+00> : vector<64x128xf32>
    %dot_general3A_199 = tpu.matmul %dot_general3A_184, %mul3A_145, %dot_general3A_198 {dimension_numbers = #tpu.dot_dimension_numbers<[1], [0], [0], [1], [0, 0, 1, 1], [], []>, precision = #tpu.contract_precision<fp32>, transpose_lhs_hint = false} : vector<64x128xf32>, vector<128x128xf32>, vector<64x128xf32> -> vector<64x128xf32>
    %add3A_200 = arith.addf %dot_general3A_197, %dot_general3A_199 : vector<64x128xf32>
    %swap3A_201 = arith.constant 0 : index
    %swap3A_202 = arith.constant 1344 : index
    %swap3A_203 = arith.constant 0 : index
    %swap3A_204 = vector.load %arg2[%swap3A_201, %swap3A_202, %swap3A_203] : memref<1x1664x128xf32, #tpu.memory_space<vmem>>, vector<1x64x128xf32>
    %swap3A_205 = vector.shape_cast %swap3A_204 : vector<1x64x128xf32> to vector<64x128xf32>
    %swap3A_206 = vector.shape_cast %add3A_200 : vector<64x128xf32> to vector<1x64x128xf32>
    tpu.vector_store %arg2[%swap3A_201, %swap3A_202, %swap3A_203], %swap3A_206 {strides = array<i32>} : memref<1x1664x128xf32, #tpu.memory_space<vmem>>, vector<1x64x128xf32>,
    return
  }
  func.func @transform_0(%arg0: i32) -> (i32, i32, i32) {
    %c0_i32 = arith.constant 0 : i32
    %c0_i32_0 = arith.constant 0 : i32
    %c0_i32_1 = arith.constant 0 : i32
    return %arg0, %c0_i32, %c0_i32_0 : i32, i32, i32
  }
  func.func @transform_1(%arg0: i32) -> (i32, i32, i32) {
    %c0_i32 = arith.constant 0 : i32
    %c0_i32_0 = arith.constant 0 : i32
    %c0_i32_1 = arith.constant 0 : i32
    return %arg0, %c0_i32, %c0_i32_0 : i32, i32, i32
  }
  func.func @transform_2(%arg0: i32) -> (i32, i32, i32) {
    %c0_i32 = arith.constant 0 : i32
    %c0_i32_0 = arith.constant 0 : i32
    %c0_i32_1 = arith.constant 0 : i32
    return %arg0, %c0_i32, %c0_i32_0 : i32, i32, i32
  }
}

</mosaic_0001>

<sc_bundles>
// kernel: sparse-core-data-format-call.cloned.1.call-start
scs
called_computation_lowered:
.L_overlay_start_0:
0x0: {  	s2 =	sld [smem:$0x3FD9]  }
0x1: {  	s3 =	sld [smem:$0x3FFE];
	_ =	sdelay $0x1  }
0x2: {  	s1 =	srdreg.scid  }
0x3: {  	s0 =	sand.u32 $0x1, s1  }
0x4: {  	s15 =	sshll.u32 s0, $0xA;
	s2 =	sadd.s32 s3, s2  }
0x5: {  	s2 =	sadd.s32 s2, s15  }
0x6: {  	[smem:$0x3FC7] =	sst s2  }
0x7: {  	_ = 	snop  }
0x8: {  	s2 =	sld [smem:$0x3FD0];
	_ =	sdelay $0x2  }
0x9: {  	s16 =	simm.s32 $0xA;
	s4 =	simm.s32 $0x10  }
0xa: {  	[smem:s4], [sflag:s16] =	dma.local [hbm:s2], $0x1  }
0xb: {  	_ =	swait.eq [sflag:s16], $0x1  }
0xc: {  	[sflag:s16] =	ssyncset.done $0x0  }
0xd: {  	[sflag:s16] =	ssyncadd.s32 $0xFFFFFFFF  }
0xe: {  	s17 =	sld [smem:$0x10];
	(tm) =	ssettm $0x1  }
0xf: {  	s18 =	sld [smem:$0x3FFB];
	_ =	sdelay $0x3  }
0x10: {  	_ =	strace s18  }
0x11: {  	s3 =	sld [smem:$0x3FFC];
	_ =	sdelay $0x3  }
0x12: {  	_ =	strace s3  }
0x13: {  	s3 =	sld [smem:$0x3FFD];
	_ =	sdelay $0x3  }
0x14: {  	_ =	strace s3  }
0x15: {  	_ =	strace $0x8FFFFFFF  }
0x16: {  	s19 =	sld [smem:$0x3FDB];
	_ =	sdelay $0x1  }
0x17: {  	s20 =	simm.s32 $_scs_section_size  }
0x18: {  	s5 =	simm.s32 $_size__tile_overlayer_lowered;
	s6 =	simm.s32 $_tile_overlayer_lowered  }
0x19: {  	s23 =	simm.s32 $0x1BFF;
	s22 =	sshll.u32 s6, $0x1;
	s3 =	sadd.s32 s20, s19  }
0x1a: {  	s7 =	simm.s32 $0x0;
	s21 =	sshll.u32 s5, $0x1;
	s5 =	sadd.s32 s22, s3  }
0x1b: {  	[timem:s7], [sflag:s23] =	dma.local [hbm:s5], s21  }
0x1c: {  	_ =	swait.ge [sflag:s23], s21  }
0x1d: {  	s4 =	ssub.s32 $0x0, s21;
	[sflag:s23] =	ssyncset.done $0x0  }
0x1e: {  	[sflag:s23] =	ssyncadd.s32 s4;
	_ =	sdelay $0x1  }
0x1f: {  	s24 =	simm.s32 $0x1B8B  }
0x20: {  	_ =	swait.ge [sflag:s24], $0x1  }
0x21: {  	[sflag:s24] =	ssyncset.done $0x0  }
0x22: {  	s26 =	simm.s32 $0x1B8E;
	s25 =	sld [smem:$0x3FFE];
	[sflag:s24] =	ssyncadd.s32 $0xFFFFFFFF  }
0x23: {  	s27 =	simm.s32 $execute0_lowered;
	[smem:$0x3FD2] =	sst s26  }
0x24: {  	s5 =	sshll.u32 s27, $0x1;
	_ =	strace $0x80000046;
	[dreg:$0x1] =	wrdreg $0xFFFFFFFF  }
0x25: {  	s28 =	simm.s32 $_size_execute0_lowered;
	s3 =	sadd.s32 s3, s5;
	[dreg:$0x0] =	wrdreg $0x0  }
0x26: {  	s5 =	sshll.u32 s28, $0x1;
	[dreg:$0x2] =	wrdreg s3  }
0x27: {  	[dreg:$0x3] =	wrdreg s5  }
0x28: {  	[dreg:$0x4] =	wrdreg $0xC0  }
0x29: {  	_ =	task [dreg:s7], $0x5FFFF  }
0x2a: {  	[dreg:$0x1] =	wrdreg $0xFFFFFFFF  }
0x2b: {  	[dreg:$0x0] =	wrdreg $0x60  }
0x2c: {  	[dreg:$0x2] =	wrdreg s25  }
0x2d: {  	[dreg:$0x3] =	wrdreg s17  }
0x2e: {  	[dreg:$0x4] =	wrdreg $0x9  }
0x2f: {  	_ =	task.clear_ibuf [dreg:s7], $0x5FFFF;
	_ =	strace $0x90000046  }
0x30: {  	s29 =	simm.s32 $0x9;
	_ =	strace $0x80000048  }
0x31: {  	_ =	swait.ge [sflag:s29], $0x1  }
0x32: {  	[sflag:s29] =	ssyncadd.s32 $0xFFFFFFFF  }
0x33: {  	_ =	strace $0x90000048  }
0x34: {  	_ =	sfence  }
0x35: {  	s30 =	sld [smem:$0x0];
	_ =	sdelay $0x2  }
0x36: {  	s31 =	sshll.u32 s1, $0xD;
	s1 =	sshrl.u32 s1, $0x2  }
0x37: {  	s3 =	sand.u32 $0x4000, s31;
	s1 =	sadd.s32 s1, s30  }
0x38: {  	s0 =	sor.u32 s3, s0;
	s1 =	sshll.u32 s1, $0x11  }
0x39: {  	s0 =	sor.u32 s1, s0  }
0x3a: {  	s0 =	sadd.s32 $0x8F2B, s0  }
0x3b: {  	[sflag:s0] =	ssyncadd.remote.s32 $0x1  }
0x3c: {  	_ =	sfence.sel $0xFFFF  }
0x3d: {  	[dreg:$0x0] =	wrdreg $0xFFFFFFFF;
	(pc) =	sbr.abs _section_cstart, $3  }
0x3e: {  	[dreg:$0x1] =	wrdreg $0xFFFFFFFF  }
0x3f: {  	_ =	task.clear_ibuf [dreg:s7], $0x2FFFF;
	_ =	strace $0x9FFFFFFF  }
0x40: {  	(tm) =	ssettm $0x7FFFFFFF  }
0x41: {  	_ =	shalt  }
tec
execute0_lowered:
.L_overlay_start_1:
0x0: {  	(tag) =	ssettag $0x1  }
0x1: {  	s3 =	rddreg [dreg:$0x0];
	s0 =	srdreg.scid  }
0x2: {  	s1 =	rddreg [dreg:$0x1];
	s4 =	simm.s32 $0x1;
	s8 =	simm.s32 $0x2  }
0x3: {  	s18 =	simm.s32 $0x0;
	p0 =	por $0x0, $0x0;
	s19 =	simm.s32 $0x0  }
0x4: {  	s20 =	simm.s32 $0x0;
	s21 =	simm.s32 $0x0;
	s9 =	simm.s32 $0x0  }
0x5: {  	s10 =	simm.s32 $0x0;
	s11 =	simm.s32 $0x0;
	s12 =	simm.s32 $0x0  }
0x6: {  	s13 =	simm.s32 $0x0;
	s14 =	simm.s32 $0x0;
	s2 =	sand.u32 $0x1, s0  }
0x7: {  	s16 =	stileid.u32;
	s17 =	simm.s32 $0x0;
	s6 =	ssub.s32 $0x4, s2  }
.Ltmp0:
0x8: {  	s0 =	rddreg [dreg:$0x2];
	s7 =	sshrl.u32 s6, $0x1;
	(pc) =	sbr.rel .LBB1_1-.Ltmp0, $4  }
0x9: {  	_ =	strace $0x80000047;
	s5 =	sadd.s32 $0xA00, s3;
	s30 =	sadd.s32 s2, s7  }
0xa: {  	s3 =	stileid.u32;
	[sflag:s4] =	ssyncpa.u1 $0x0;
	s31 =	smul.u32 $0xFFFFFCC0, s30  }
0xb: {  	s15 =	smov.u32 s2;
	[sflag:s8] =	ssyncpa.u1 $0x0;
	s6 =	ssub.s32 s6, s7  }
0xc: {  	s8 =	simm.s32 $0x34000;
	s6 =	smul.u32 $0x340, s6;
	s7 =	sadd.s32 $0xD01, s31  }
.LBB1_4:
0xd: {  	s24 =	sshll.u32 s9, $0x2;
	s25 =	sand.u32 $0x7F, s9;
	p1 =	sgt.s32 s12, $0xF  }
0xe: {  	s27 =	smov.u32 s12;
	s28 =	sshra.s32 s12, $0x1F;
	s29 =	smov.u32 s11  }
0xf: {  	s30 =	sshra.s32 s11, $0x1F;
	p2 =	sgt.s32 s10, $0x1;
	s31 =	sshra.s32 s10, $0x1F  }
0x10: {  	s26 =	sand.u32 $0xFFFFFE00, s24;
	s27 =	simm.s32 @!p1 $0xF;
	p1 =	sgt.s32 s11, $0x3  }
0x11: {  	s28 =	sand.u32 s28, s12;
	s30 =	sand.u32 s30, s11;
	s24 =	smulhi.u32 $0x4EC4EC4F, s24  }
0x12: {  	s25 =	sor.u32 s25, s26;
	s29 =	simm.s32 @!p1 $0x3;
	s27 =	ssub.s32 s27, s28  }
0x13: {  	s26 =	smulhi.u32 $0x4EC4EC4F, s25;
	s28 =	ssub.s32 s29, s30;
	s27 =	sadd.s32 $0xFFFFFFF1, s27  }
0x14: {  	s30 =	sand.u32 s31, s10;
	s31 =	sshra.s32 s9, $0x1F;
	s29 =	sadd.s32 $0xFFFFFFFD, s28  }
0x15: {  	s28 =	ssub.s32 $0x4, s28;
	s30 =	sxor.u32 $0xFFFFFFFF, s30;
	s26 =	sshrl.u32 s26, $0xE  }
0x16: {  	p1 =	sgt.s32 s29, $0x0;
	s29 =	smov.u32 s10;
	s26 =	smul.u32 $0xD000, s26  }
0x17: {  	s29 =	simm.s32 @!p2 $0x1;
	p2 =	sgt.s32 s27, $0x0;
	s27 =	sshll.u32 s27, $0x2  }
0x18: {  	s28 =	simm.s32 @p1 $0x0;
	s29 =	sadd.s32 s30, s29;
	s27 =	ssub.s32 $0x4, s27  }
0x19: {  	s30 =	smov.u32 s9;
	p1 =	sgt.s32 s29, $0x0;
	s27 =	simm.s32 @p2 $0x0  }
0x1a: {  	s29 =	ssub.s32 $0x1, s29;
	p2 =	sgt.s32 s9, $0xCF80;
	s27 =	smul.u32 s28, s27  }
0x1b: {  	s29 =	simm.s32 @p1 $0x0;
	s30 =	simm.s32 @!p2 $0xCF80;
	s28 =	sand.u32 s31, s9  }
0x1c: {  	s24 =	sshrl.u32 s24, $0xE;
	s30 =	ssub.s32 s30, s28;
	s27 =	smul.u32 s29, s27  }
0x1d: {  	s24 =	sand.u32 $0x3, s24;
	s28 =	sadd.s32 $0xFFFF3080, s30;
	s29 =	smul.u32 $0x34000, s12  }
0x1e: {  	s25 =	ssub.s32 s25, s26;
	p1 =	sgt.s32 s28, $0x7F;
	s28 =	smul.u32 $0xD000, s11  }
0x1f: {  	s31 =	smul.u32 $0x6800, s10;
	s26 =	ssub.s32 $0xD000, s30;
	s29 =	sadd.s32 s1, s29  }
0x20: {  	s24 =	smul.u32 $0x1A00, s24;
	s26 =	simm.s32 @p1 $0x0;
	s28 =	sadd.s32 s28, s29  }
0x21: {  	s26 =	smul.u32 s26, s27;
	s30 =	sadd.s32 s31, s28;
	s31 =	sand.u32 $0x7, s25  }
0x22: {  	s25 =	sshrl.u32 s25, $0x3;
	s24 =	sadd.s32 s24, s30;
	s29 =	sshll.u32 s31, $0x12  }
0x23: {  	[tilespmem:s23+$0x0 ss:$0x81] =	vst.msk $0xffff, v0;
	s30 =	sand.u32 $0x3FFFFFFC, s26;
	s24 =	sadd.s32 s25, s24;
	s31 =	sor.u32 $0x200, s29  }
0x24: {  	[hbm4b:s24+s31] =	stream.strided.scatter [tilespmem:s22], [sflag:$0x2], s30, s8, s31, $0x20;
	[tilespmem:$0x4040] =	vst v63  }
.LBB1_5:
0x25: {  	p1 =	slt.u32 s17, $0x2  }
0x26: {  	s22 =	smov.u32 s21;
	p2 =	sgt.s32 @!p1 s21, $0xF  }
0x27: {  	s24 =	smov.u32 s19;
	s23 =	sshra.s32 @!p1 s21, $0x1F;
	p2 =	por !p2, p1  }
0x28: {  	s21 =	sand.u32 @!p1 s23, s21;
	s22 =	simm.s32 @p2 $0xF;
	p2 =	sgt.s32 @!p1 s20, $0x3  }
0x29: {  	s23 =	sshra.s32 @!p1 s20, $0x1F;
	s21 =	ssub.s32 @!p1 s22, s21;
	p3 =	por !p2, p1  }
0x2a: {  	s22 =	smov.u32 s20;
	s20 =	sand.u32 @!p1 s23, s20;
	s21 =	sadd.s32 @!p1 $0xFFFFFFF1, s21  }
0x2b: {  	s22 =	simm.s32 @p3 $0x3;
	p3 =	sgt.s32 @!p1 s19, $0x1;
	p2 =	sgt.s32 @!p1 s21, $0x0  }
0x2c: {  	s20 =	ssub.s32 @!p1 s22, s20;
	s22 =	sshra.s32 @!p1 s19, $0x1F;
	p3 =	por !p3, p1  }
0x2d: {  	s21 =	sshll.u32 @!p1 s21, $0x2;
	s23 =	sadd.s32 @!p1 $0xFFFFFFFD, s20;
	s19 =	sand.u32 @!p1 s22, s19  }
0x2e: {  	s24 =	simm.s32 @p3 $0x1;
	s20 =	ssub.s32 @!p1 $0x4, s20;
	s22 =	smov.u32 s18  }
0x2f: {  	s21 =	ssub.s32 @!p1 $0x4, s21;
	p2 =	por !p2, p1;
	p4 =	sgt.s32 @!p1 s23, $0x0  }
0x30: {  	s19 =	sxor.u32 @!p1 $0xFFFFFFFF, s19;
	s23 =	sshra.s32 @!p1 s18, $0x1F;
	s21 =	simm.s32 @!p2 $0x0  }
0x31: {  	p3 =	por !p4, p1;
	s19 =	sadd.s32 @!p1 s19, s24;
	p4 =	sgt.s32 @!p1 s18, $0xCF80  }
0x32: {  	s18 =	sand.u32 @!p1 s23, s18;
	s20 =	simm.s32 @!p3 $0x0;
	p4 =	por !p4, p1  }
0x33: {  	p3 =	sgt.s32 @!p1 s19, $0x0;
	s19 =	ssub.s32 @!p1 $0x1, s19;
	s22 =	simm.s32 @p4 $0xCF80  }
0x34: {  	p3 =	por !p3, p1;
	s20 =	smul.u32 @!p1 s20, s21;
	s18 =	ssub.s32 @!p1 s22, s18  }
0x35: {  	s26 =	smov.u32 s16;
	s19 =	simm.s32 @!p3 $0x0;
	s22 =	sadd.s32 @!p1 $0xFFFF3080, s18  }
0x36: {  	s19 =	smul.u32 @!p1 s19, s20;
	p2 =	sgt.s32 @!p1 s22, $0x7F;
	s22 =	sadd.s32 $0x80, s13  }
0x37: {  	s20 =	simm.s32 $0x1;
	p3 =	por !p2, p1;
	p2 =	sgt.s32 s22, $0xCFFF  }
0x38: {  	p0 =	por !p0, !p0;
	s18 =	ssub.s32 @!p1 $0xD000, s18;
	s20 =	simm.s32 @!p2 $0x0  }
0x39: {  	s24 =	smov.u32 s15;
	s18 =	simm.s32 @!p3 $0x0;
	s23 =	sadd.s32 s20, s14  }
0x3a: {  	s18 =	smul.u32 @!p1 s18, s19;
	s19 =	sadd.s32 $0x2, s15;
	p3 =	sgt.s32 s23, $0x1  }
0x3b: {  	s25 =	simm.s32 @!p1 $0x2;
	s21 =	smov.u32 s12;
	s24 =	smov.u32 @p3 s19  }
0x3c: {  	s12 =	smov.u32 s16;
	s19 =	sadd.s32 $0x10, s16;
	p4 =	sgt.s32 s24, $0x3  }
0x3d: {  	s22 =	simm.s32 @p2 $0x0;
	s20 =	smov.u32 s11;
	s26 =	smov.u32 @p4 s19  }
0x3e: {  	s11 =	smov.u32 s15;
	s18 =	sand.u32 @!p1 $0x3FFFFFFC, s18;
	p2 =	sgt.s32 s26, $0xF  }
0x3f: {  	s23 =	simm.s32 @p3 $0x0;
	s26 =	smov.u32 @p2 s3;
	p2 =	sne.s32 s17, s7  }
.Ltmp1:
0x40: {  	_ =	swait.ge @!p1 [sflag:s25], s18;
	s27 =	ssub.s32 @!p1 $0x0, s18;
	(pc) =	sbr.rel @!p2 .LBB1_6-.Ltmp1, $4  }
0x41: {  	s18 =	smov.u32 s9;
	s9 =	smov.u32 s13;
	s13 =	smov.u32 s22  }
0x42: {  	[sflag:s25] =	ssyncset.done @!p1 $0x0;
	s24 =	smov.u32 @p4 s2;
	s19 =	smov.u32 s10  }
0x43: {  	s10 =	smov.u32 s14;
	s14 =	smov.u32 s23;
	[sflag:s25] =	ssyncadd.s32 @!p1 s27  }
0x44: {  	s15 =	smov.u32 s24;
	s17 =	sadd.s32 $0x1, s17;
	s16 =	smov.u32 s26  }
.LBB1_1:
0x45: {  	_ = 	snop  }
0x46: {  	p1 =	sge.u32 s17, s6  }
0x47: {  	s22 =	sand.u32 @!p1 $0x1FFFFFF, s13  }
0x48: {  	s23 =	smulhi.u32 @!p1 $0x2762763, s22  }
0x49: {  	s24 =	smul.u32 @!p1 $0x680000, s16  }
0x4a: {  	s25 =	smul.u32 @!p1 $0x1A0000, s15;
	s23 =	sshrl.u32 @!p1 s23, $0x9  }
0x4b: {  	s31 =	sadd.s32 $0xFFFFFFFF, s17;
	s23 =	smul.u32 @!p1 $0xD000, s23  }
0x4c: {  	s26 =	sxor.u32 @!p1 $0xFFFFFFFF, s17;
	s27 =	smul.u32 @!p1 $0xD0000, s14;
	s24 =	sadd.s32 @!p1 s5, s24  }
0x4d: {  	s24 =	sadd.s32 @!p1 s25, s24;
	s25 =	simm.s32 @!p1 $0x80;
	s22 =	ssub.s32 @!p1 s22, s23  }
0x4e: {  	s24 =	sadd.s32 @!p1 s27, s24;
	s23 =	sshll.u32 @!p1 s26, $0xC;
	s22 =	sshll.u32 @!p1 s22, $0x4  }
0x4f: {  	s23 =	sand.u32 @!p1 $0x1000, s23;
	s22 =	sadd.s32 @!p1 s22, s24;
	s24 =	simm.s32 @!p1 $0x20  }
0x50: {  	[tilespmem:s23], [sflag:$0x1] =	stream.strided.gather @!p1 [hbm4b:s22+s24], $0x1000, s25, s24, $0x38;
	[tilespmem:$0x4040] =	vst v63  }
0x51: {  	p1 =	sge.u32 s31, s6  }
.Ltmp2:
0x52: {  	_ = 	snop;
	(pc) =	sbr.rel @p1 .LBB1_5-.Ltmp2, $1  }
0x53: {  	_ =	sdelay $0x3  }
0x54: {  	s22 =	simm.s32 $0x1  }
0x55: {  	_ =	swait.ge [sflag:s4], $0x1000;
	s22 =	simm.s32 @!p0 $0x0  }
0x56: {  	[sflag:s4] =	ssyncset.done $0x0;
	s23 =	sshll.u32 s22, $0xC  }
0x57: {  	[sflag:s4] =	ssyncadd.s32 $0xFFFFF000;
	s26 =	sor.u32 $0x10, s23  }
0x58: {  	s22 =	smul.u32 $0x4080, s22;
	v1 =	vld [tilespmem:s26+$0x0]  }
0x59: {  	s30 =	sand.u32 $0x1, s17;
	v0 =	vld [tilespmem:s26+$0xFFFFFFF0]  }
0x5a: {  	s23 =	smul.u32 $0x4080, s30;
	s22 =	sshrl.u32 s22, $0x2  }
0x5b: {  	s24 =	sor.u32 $0x2000, s22  }
0x5c: {  	s31 =	sshrl.u32 s23, $0x2;
	s23 =	sadd.s32 $0x0, s24  }
0x5d: {  	s25 =	simm.s32 $0x4;
	s26 =	sadd.s32 $0x20, s26;
	s22 =	sor.u32 $0x2000, s31;
	[tilespmem:s23+$0x810 ss:$0x81] =	vst.msk $0xffff, v1  }
.LBB1_3:
0x5e: {  	v1 =	vld [tilespmem:s26+$0x0];
	p1 =	sne.s32 s25, $0x1FC;
	[tilespmem:s23+$0x0 ss:$0x81] =	vst.msk $0xffff, v0;
	s23 =	smov.u32 s25;
	s25 =	sadd.s32 $0x4, s25  }
.Ltmp3:
0x5f: {  	v0 =	vld [tilespmem:s26+$0xFFFFFFF0];
	(pc) =	sbr.rel @p1 .LBB1_3-.Ltmp3, $4  }
0x60: {  	_ = 	snop  }
0x61: {  	s23 =	sshra.s32 s23, $0x2  }
0x62: {  	s23 =	sadd.s32 s23, s24  }
0x63: {  	s26 =	sadd.s32 $0x20, s26;
	[tilespmem:s23+$0x810 ss:$0x81] =	vst.msk $0xffff, v1  }
.Ltmp4:
0x64: {  	_ = 	snop;
	(pc) =	sbr.rel .LBB1_4-.Ltmp4, $1  }
0x65: {  	_ =	sdelay $0x3  }
.LBB1_6:
0x66: {  	_ =	sfence.sel $0x180000  }
0x67: {  	s1 =	simm.s32 $0x1;
	[bflag:$0x0] =	sbarrier.arrive $0xFFFF  }
0x68: {  	s31 =	simm.s32 $0x2;
	[sflag:s1] =	ssyncpa.u1 $0x1  }
0x69: {  	[sflag:s31] =	ssyncpa.u1 $0x1  }
0x6a: {  	p0 =	sne.s32 s3, $0x0;
	_ =	strace $0x90000047  }
0x6b: {  	s0 =	sadd.s32 @!p0 $0x100000, s0;
	[bflag:$0x2] =	sbarrier.arrive $0xFFFF  }
0x6c: {  	[sflag:s0] =	ssyncadd.tile.s32 @!p0 $0x1;
	_ =	shalt  }
.Lfunc_end1:
_tile_overlayer_lowered:
.L_overlay_start_2:
0x6d: {  	(tag) =	ssettag $0x2  }
0x6e: {  	s0 =	rddreg [dreg:$0x0];
	s2 =	stileid.u32  }
0x6f: {  	s1 =	rddreg [dreg:$0x1];
	p0 =	sne.s32 s2, $0x0  }
0x70: {  	s3 =	rddreg [dreg:$0x2];
	[bflag:$0x3] =	sbarrier.arrive $0xFFFF;
	s2 =	simm.s32 @!p0 $0x1C01  }
0x71: {  	[timem:s3], [sflag:s2] =	dma.local @!p0 [hbm:s0], s1  }
0x72: {  	s0 =	simm.s32 @!p0 $0x1  }
0x73: {  	_ =	swait.ge @!p0 [sflag:s0], s1  }
0x74: {  	s1 =	ssub.s32 @!p0 $0x0, s1;
	[sflag:s0] =	ssyncset.done @!p0 $0x0  }
0x75: {  	[sflag:s0] =	ssyncadd.s32 @!p0 s1  }
0x76: {  	[bflag:$0x3] =	sbarrier.arrive $0xFFFF  }
0x77: {  	_ =	shalt  }

</sc_bundles>
